<compile_context>
chip_gen: v7x
topology: tpu7x:2x2x1
jax: 0.10.2.dev20260603
libtpu: 0.0.44.dev20260713+nightly
codegen_flags: <defaults>
</compile_context>

<pallas_src>
import functools

import jax
import jax.numpy as jnp
from jax import lax
from jax.experimental import pallas as pl
from jax.experimental.pallas import tpu as pltpu
from jax.experimental.pallas import tpu_sc as plsc

_T = 2048
_V = 100000
_NW = 32
_BPW = _T // _NW
_L = 16

_V_PACK = 8192
_V_BLK = 1024


def _pack_body(t_ref, to_ref):
    to_ref[...] = jnp.transpose(t_ref[...])


def _compact_table(tok_table):
    return pl.pallas_call(
        _pack_body,
        grid=(pl.cdiv(_V, _V_PACK),),
        in_specs=[pl.BlockSpec((_V_PACK, 1), lambda j: (j, 0))],
        out_specs=pl.BlockSpec((1, _V_PACK), lambda j: (0, j)),
        out_shape=jax.ShapeDtypeStruct((1, _V), jnp.float32),
    )(tok_table)


@functools.partial(
    pl.kernel,
    out_type=jax.ShapeDtypeStruct((_T,), jnp.float32),
    mesh=plsc.VectorSubcoreMesh(core_axis_name="c", subcore_axis_name="s"),
    scratch_types=[
        pltpu.VMEM((_BPW,), jnp.int32),
        pltpu.VMEM((1, _V), jnp.float32),
        pltpu.VMEM((_BPW,), jnp.float32),
    ],
    compiler_params=pltpu.CompilerParams(needs_layout_passes=False),
)
def _sc_gather(idx_hbm, table_hbm, out_hbm, idx_v, table_v, out_v):
    wid = lax.axis_index("s") * 2 + lax.axis_index("c")
    base = wid * _BPW
    pltpu.sync_copy(idx_hbm.at[pl.ds(base, _BPW)], idx_v)
    pltpu.sync_copy(table_hbm, table_v)
    zeros = jnp.zeros((_L,), jnp.int32)
    for k in range(_BPW // _L):
        sl = pl.ds(k * _L, _L)
        vals = plsc.load_gather(table_v, [zeros, idx_v[sl]])
        out_v[sl] = vals
    pltpu.sync_copy(out_v, out_hbm.at[pl.ds(base, _BPW)])


def _proj_body(x_ref, p_ref, w_ref, b_ref, o_ref):
    x_row = x_ref[...].reshape(1, -1)
    x = jnp.transpose(x_row) + p_ref[...]
    w_row = jnp.transpose(w_ref[...])
    b_row = b_ref[...].reshape(1, _V_BLK)
    o_ref[...] = x * w_row + b_row


def kernel(idx, tok_table, pos_emb, W, b):
    T = idx.shape[1]
    V = W.shape[0]
    idx_flat = idx.reshape(T).astype(jnp.int32)

    tok_row = _compact_table(tok_table)
    x_row = _sc_gather(idx_flat, tok_row)

    out = pl.pallas_call(
        _proj_body,
        grid=(pl.cdiv(V, _V_BLK),),
        in_specs=[
            pl.BlockSpec((T,), lambda j: (0,)),
            pl.BlockSpec((T, 1), lambda j: (0, 0)),
            pl.BlockSpec((_V_BLK, 1), lambda j: (j, 0)),
            pl.BlockSpec((_V_BLK,), lambda j: (j,)),
        ],
        out_specs=pl.BlockSpec((T, _V_BLK), lambda j: (0, j)),
        out_shape=jax.ShapeDtypeStruct((T, V), jnp.float32),
        compiler_params=pltpu.CompilerParams(
            dimension_semantics=("arbitrary",),
        ),
    )(x_row, pos_emb, W, b)
    return out.reshape(1, T, V)

# --- scband reference (transcript-rebuilt; emitter-appended) ---
"""Pipeline reference for scband-tiny-gpt-30459908063406 (READ-ONLY COPY).

The authoritative reference and input builder live on the scoring server;
editing this copy changes nothing except your own understanding.
"""

import jax, jax.numpy as jnp
import numpy as np

VOCAB = 100000
CTX = 2048
B = 1

def setup_inputs(seed: int = 0) -> dict:
    key = jax.random.key(seed)
    k1, k2, k3, k4, k5 = jax.random.split(key, 5)
    idx = jax.random.randint(k1, (B, CTX), 0, VOCAB, dtype=jnp.int64 if jax.config.jax_enable_x64 else jnp.int32)
    tok_table = jax.random.normal(k2, (VOCAB, 1), dtype=jnp.float32)
    pos_emb = jax.random.normal(k3, (CTX, 1), dtype=jnp.float32)
    W = jax.random.normal(k4, (VOCAB, 1), dtype=jnp.float32) * 0.02
    b = jax.random.normal(k5, (VOCAB,), dtype=jnp.float32) * 0.02
    return {"idx": idx, "tok_table": tok_table, "pos_emb": pos_emb, "W": W, "b": b}

def reference(idx, tok_table, pos_emb, W, b):
    # tok_emb = self.token_embedding(idx) -> gather rows
    tok_emb = jnp.take(tok_table, idx, axis=0)            # [B, T, 1]
    # pos_emb = self.position_embedding[:idx.size(1)]
    pe = pos_emb[: idx.shape[1]]                           # [T, 1]
    x = tok_emb + pe                                       # [B, T, 1]
    # logits = self.output_proj(x) -> x @ W.T + b
    logits = jnp.einsum('btd,vd->btv', x, W) + b           # [B, T, VOCAB]
    return logits

if __name__ == "__main__":
    import jax
    _d = setup_inputs()
    print(jax.jit(kernel)(*tuple(_d.values())))

</pallas_src>

<mosaic_0001>
#map = affine_map<(d0, d1) -> (0)>
#map1 = affine_map<(d0, d1) -> (0, 0)>
module attributes {stable_mosaic.version = 14 : i64} {
  func.func @_sc_gather(%arg0: i32, %arg1: i32, %arg2: memref<2048xi32, #tpu.memory_space<hbm>>, %arg3: memref<1x100000xf32, #tpu.memory_space<hbm>>, %arg4: memref<2048xf32, #tpu.memory_space<hbm>>, %arg5: memref<64xi32, #tpu.memory_space<vmem>>, %arg6: memref<1x100000xf32, #tpu.memory_space<vmem>>, %arg7: memref<64xf32, #tpu.memory_space<vmem>>) attributes {dimension_semantics = [#tpu.dimension_semantics<core_parallel>, #tpu.dimension_semantics<subcore_parallel>], iteration_bounds = array<i64: 2, 16>, scalar_prefetch = 0 : i64, scratch_operands = 3 : i64, tpu.core_type = #tpu.core_type<sc_vector_subcore>, window_params = [{transform_indices = #map}, {transform_indices = #map1}, {transform_indices = #map}]} {
    %mul3A = arith.constant 2 : i32
    %mul3A_0 = arith.muli %arg1, %mul3A : i32
    %add3A = arith.addi %mul3A_0, %arg0 : i32
    %mul3A_1 = arith.constant 64 : i32
    %mul3A_2 = arith.muli %add3A, %mul3A_1 : i32
    "tpu.region"() ({
      %run_scoped3A = tpu.sem_alloc : memref<!tpu.dma_semaphore, #tpu.memory_space<semaphore_mem>>
      %dma_start3A = tpu.memref_slice %arg2[%mul3A_2] : memref<2048xi32, #tpu.memory_space<hbm>> -> memref<64xi32, #tpu.memory_space<hbm>>
      %dma_start3A_21 = tpu.memref_slice %arg2[%mul3A_2] : memref<2048xi32, #tpu.memory_space<hbm>> -> memref<64xi32, #tpu.memory_space<hbm>>
      tpu.enqueue_dma source(%dma_start3A_21 : memref<64xi32, #tpu.memory_space<hbm>>) target(%arg5 : memref<64xi32, #tpu.memory_space<vmem>>) target_semaphore(%run_scoped3A : memref<!tpu.dma_semaphore, #tpu.memory_space<semaphore_mem>>)
      %dma_wait3A = tpu.memref_slice %arg2[%mul3A_2] : memref<2048xi32, #tpu.memory_space<hbm>> -> memref<64xi32, #tpu.memory_space<hbm>>
      %dma_wait3A_22 = tpu.memref_slice %arg2[%mul3A_2] : memref<2048xi32, #tpu.memory_space<hbm>> -> memref<64xi32, #tpu.memory_space<hbm>>
      tpu.wait_dma2 semaphore(%run_scoped3A : memref<!tpu.dma_semaphore, #tpu.memory_space<semaphore_mem>>) src(%dma_wait3A_22 : memref<64xi32, #tpu.memory_space<hbm>>) dst(%arg5 : memref<64xi32, #tpu.memory_space<vmem>>)
      tpu.yield
    }) : () -> ()
    "tpu.region"() ({
      %run_scoped3A = tpu.sem_alloc : memref<!tpu.dma_semaphore, #tpu.memory_space<semaphore_mem>>
      tpu.enqueue_dma source(%arg3 : memref<1x100000xf32, #tpu.memory_space<hbm>>) target(%arg6 : memref<1x100000xf32, #tpu.memory_space<vmem>>) target_semaphore(%run_scoped3A : memref<!tpu.dma_semaphore, #tpu.memory_space<semaphore_mem>>)
      tpu.wait_dma2 semaphore(%run_scoped3A : memref<!tpu.dma_semaphore, #tpu.memory_space<semaphore_mem>>) src(%arg3 : memref<1x100000xf32, #tpu.memory_space<hbm>>) dst(%arg6 : memref<1x100000xf32, #tpu.memory_space<vmem>>)
      tpu.yield
    }) : () -> ()
    %broadcast_in_dim3A = arith.constant 0 : i32
    %broadcast_in_dim3A_3 = vector.broadcast %broadcast_in_dim3A : i32 to vector<16xi32>
    %get3A = arith.constant 0 : index
    %get3A_4 = tpu.vector_load %arg5[%get3A] {strides = array<i32>} : memref<64xi32, #tpu.memory_space<vmem>>, vector<16xi32>,
    %gather3A = tpu.vector_load_idx %arg6[%broadcast_in_dim3A_3, %get3A_4] : memref<1x100000xf32, #tpu.memory_space<vmem>>[vector<16xi32>, vector<16xi32>], vector<16xf32>,
    %swap3A = arith.constant 0 : index
    %swap3A_5 = tpu.vector_load %arg7[%swap3A] {strides = array<i32>} : memref<64xf32, #tpu.memory_space<vmem>>, vector<16xf32>,
    tpu.vector_store %arg7[%swap3A], %gather3A {strides = array<i32>} : memref<64xf32, #tpu.memory_space<vmem>>, vector<16xf32>,
    %get3A_6 = arith.constant 16 : index
    %get3A_7 = tpu.vector_load %arg5[%get3A_6] {strides = array<i32>} : memref<64xi32, #tpu.memory_space<vmem>>, vector<16xi32>,
    %gather3A_8 = tpu.vector_load_idx %arg6[%broadcast_in_dim3A_3, %get3A_7] : memref<1x100000xf32, #tpu.memory_space<vmem>>[vector<16xi32>, vector<16xi32>], vector<16xf32>,
    %swap3A_9 = arith.constant 16 : index
    %swap3A_10 = tpu.vector_load %arg7[%swap3A_9] {strides = array<i32>} : memref<64xf32, #tpu.memory_space<vmem>>, vector<16xf32>,
    tpu.vector_store %arg7[%swap3A_9], %gather3A_8 {strides = array<i32>} : memref<64xf32, #tpu.memory_space<vmem>>, vector<16xf32>,
    %get3A_11 = arith.constant 32 : index
    %get3A_12 = tpu.vector_load %arg5[%get3A_11] {strides = array<i32>} : memref<64xi32, #tpu.memory_space<vmem>>, vector<16xi32>,
    %gather3A_13 = tpu.vector_load_idx %arg6[%broadcast_in_dim3A_3, %get3A_12] : memref<1x100000xf32, #tpu.memory_space<vmem>>[vector<16xi32>, vector<16xi32>], vector<16xf32>,
    %swap3A_14 = arith.constant 32 : index
    %swap3A_15 = tpu.vector_load %arg7[%swap3A_14] {strides = array<i32>} : memref<64xf32, #tpu.memory_space<vmem>>, vector<16xf32>,
    tpu.vector_store %arg7[%swap3A_14], %gather3A_13 {strides = array<i32>} : memref<64xf32, #tpu.memory_space<vmem>>, vector<16xf32>,
    %get3A_16 = arith.constant 48 : index
    %get3A_17 = tpu.vector_load %arg5[%get3A_16] {strides = array<i32>} : memref<64xi32, #tpu.memory_space<vmem>>, vector<16xi32>,
    %gather3A_18 = tpu.vector_load_idx %arg6[%broadcast_in_dim3A_3, %get3A_17] : memref<1x100000xf32, #tpu.memory_space<vmem>>[vector<16xi32>, vector<16xi32>], vector<16xf32>,
    %swap3A_19 = arith.constant 48 : index
    %swap3A_20 = tpu.vector_load %arg7[%swap3A_19] {strides = array<i32>} : memref<64xf32, #tpu.memory_space<vmem>>, vector<16xf32>,
    tpu.vector_store %arg7[%swap3A_19], %gather3A_18 {strides = array<i32>} : memref<64xf32, #tpu.memory_space<vmem>>, vector<16xf32>,
    "tpu.region"() ({
      %run_scoped3A = tpu.sem_alloc : memref<!tpu.dma_semaphore, #tpu.memory_space<semaphore_mem>>
      %dma_start3A = tpu.memref_slice %arg4[%mul3A_2] : memref<2048xf32, #tpu.memory_space<hbm>> -> memref<64xf32, #tpu.memory_space<hbm>>
      %dma_start3A_21 = tpu.memref_slice %arg4[%mul3A_2] : memref<2048xf32, #tpu.memory_space<hbm>> -> memref<64xf32, #tpu.memory_space<hbm>>
      tpu.enqueue_dma source(%arg7 : memref<64xf32, #tpu.memory_space<vmem>>) target(%dma_start3A_21 : memref<64xf32, #tpu.memory_space<hbm>>) target_semaphore(%run_scoped3A : memref<!tpu.dma_semaphore, #tpu.memory_space<semaphore_mem>>)
      %dma_wait3A = tpu.memref_slice %arg4[%mul3A_2] : memref<2048xf32, #tpu.memory_space<hbm>> -> memref<64xf32, #tpu.memory_space<hbm>>
      %dma_wait3A_22 = tpu.memref_slice %arg4[%mul3A_2] : memref<2048xf32, #tpu.memory_space<hbm>> -> memref<64xf32, #tpu.memory_space<hbm>>
      tpu.wait_dma2 semaphore(%run_scoped3A : memref<!tpu.dma_semaphore, #tpu.memory_space<semaphore_mem>>) src(%arg7 : memref<64xf32, #tpu.memory_space<vmem>>) dst(%dma_wait3A_22 : memref<64xf32, #tpu.memory_space<hbm>>)
      tpu.yield
    }) : () -> ()
    return
  }
}

module attributes {stable_mosaic.version = 14 : i64} {
  func.func @_proj_body(%arg0: i32, %arg1: memref<2048xf32, #tpu.memory_space<vmem>>, %arg2: memref<2048x1xf32, #tpu.memory_space<vmem>>, %arg3: memref<1024x1xf32, #tpu.memory_space<vmem>>, %arg4: memref<1024xf32, #tpu.memory_space<vmem>>, %arg5: memref<2048x1024xf32, #tpu.memory_space<vmem>>) attributes {dimension_semantics = [#tpu.dimension_semantics<arbitrary>], iteration_bounds = array<i64: 98>, scalar_prefetch = 0 : i64, scratch_operands = 0 : i64, tpu.core_type = #tpu.core_type<tc>, window_params = [{pipeline_mode = #tpu.pipeline_mode<synchronous>, transform_indices = @transform_0, window_bounds = array<i64: 2048>}, {pipeline_mode = #tpu.pipeline_mode<synchronous>, transform_indices = @transform_1, window_bounds = array<i64: 2048, 1>}, {transform_indices = @transform_2, window_bounds = array<i64: 1024, 1>}, {transform_indices = @transform_3, window_bounds = array<i64: 1024>}, {transform_indices = @transform_4, window_bounds = array<i64: 2048, 1024>}]} {
    %get3A = arith.constant 0 : index
    %get3A_0 = vector.load %arg1[%get3A] : memref<2048xf32, #tpu.memory_space<vmem>>, vector<2048xf32>
    %reshape3A = vector.shape_cast %get3A_0 : vector<2048xf32> to vector<1x2048xf32>
    %transpose3A = tpu.transpose %reshape3A, [1, 0] : vector<1x2048xf32> -> vector<2048x1xf32>
    %get3A_1 = arith.constant 0 : index
    %get3A_2 = arith.constant 0 : index
    %get3A_3 = vector.load %arg2[%get3A_1, %get3A_2] : memref<2048x1xf32, #tpu.memory_space<vmem>>, vector<2048x1xf32>
    %add3A = arith.addf %transpose3A, %get3A_3 : vector<2048x1xf32>
    %get3A_4 = arith.constant 0 : index
    %get3A_5 = arith.constant 0 : index
    %get3A_6 = vector.load %arg3[%get3A_4, %get3A_5] : memref<1024x1xf32, #tpu.memory_space<vmem>>, vector<1024x1xf32>
    %transpose3A_7 = tpu.transpose %get3A_6, [1, 0] : vector<1024x1xf32> -> vector<1x1024xf32>
    %get3A_8 = arith.constant 0 : index
    %get3A_9 = vector.load %arg4[%get3A_8] : memref<1024xf32, #tpu.memory_space<vmem>>, vector<1024xf32>
    %reshape3A_10 = vector.shape_cast %get3A_9 : vector<1024xf32> to vector<1x1024xf32>
    %mul3A = vector.broadcast %add3A : vector<2048x1xf32> to vector<2048x1024xf32>
    %mul3A_11 = vector.broadcast %transpose3A_7 : vector<1x1024xf32> to vector<2048x1024xf32>
    %mul3A_12 = arith.mulf %mul3A, %mul3A_11 : vector<2048x1024xf32>
    %add3A_13 = vector.broadcast %reshape3A_10 : vector<1x1024xf32> to vector<2048x1024xf32>
    %add3A_14 = arith.addf %mul3A_12, %add3A_13 : vector<2048x1024xf32>
    %swap3A = arith.constant 0 : index
    %swap3A_15 = arith.constant 0 : index
    %swap3A_16 = vector.load %arg5[%swap3A, %swap3A_15] : memref<2048x1024xf32, #tpu.memory_space<vmem>>, vector<2048x1024xf32>
    tpu.vector_store %arg5[%swap3A, %swap3A_15], %add3A_14 {strides = array<i32>} : memref<2048x1024xf32, #tpu.memory_space<vmem>>, vector<2048x1024xf32>,
    return
  }
  func.func @transform_0(%arg0: i32) -> i32 {
    %c0_i32 = arith.constant 0 : i32
    %c0_i32_0 = arith.constant 0 : i32
    return %c0_i32 : i32
  }
  func.func @transform_1(%arg0: i32) -> (i32, i32) {
    %c0_i32 = arith.constant 0 : i32
    %c0_i32_0 = arith.constant 0 : i32
    %c0_i32_1 = arith.constant 0 : i32
    return %c0_i32, %c0_i32_0 : i32, i32
  }
  func.func @transform_2(%arg0: i32) -> (i32, i32) {
    %c0_i32 = arith.constant 0 : i32
    %c0_i32_0 = arith.constant 0 : i32
    return %arg0, %c0_i32 : i32, i32
  }
  func.func @transform_3(%arg0: i32) -> i32 {
    %c0_i32 = arith.constant 0 : i32
    return %arg0 : i32
  }
  func.func @transform_4(%arg0: i32) -> (i32, i32) {
    %c0_i32 = arith.constant 0 : i32
    %c0_i32_0 = arith.constant 0 : i32
    return %c0_i32, %arg0 : i32, i32
  }
}

module attributes {stable_mosaic.version = 14 : i64} {
  func.func @_pack_body(%arg0: i32, %arg1: memref<8192x1xf32, #tpu.memory_space<vmem>>, %arg2: memref<1x8192xf32, #tpu.memory_space<vmem>>) attributes {dimension_semantics = [#tpu.dimension_semantics<arbitrary>], iteration_bounds = array<i64: 13>, scalar_prefetch = 0 : i64, scratch_operands = 0 : i64, tpu.core_type = #tpu.core_type<tc>, window_params = [{transform_indices = @transform_0, window_bounds = array<i64: 8192, 1>}, {transform_indices = @transform_1, window_bounds = array<i64: 1, 8192>}]} {
    %get3A = arith.constant 0 : index
    %get3A_0 = arith.constant 0 : index
    %get3A_1 = vector.load %arg1[%get3A, %get3A_0] : memref<8192x1xf32, #tpu.memory_space<vmem>>, vector<8192x1xf32>
    %transpose3A = tpu.transpose %get3A_1, [1, 0] : vector<8192x1xf32> -> vector<1x8192xf32>
    %swap3A = arith.constant 0 : index
    %swap3A_2 = arith.constant 0 : index
    %swap3A_3 = vector.load %arg2[%swap3A, %swap3A_2] : memref<1x8192xf32, #tpu.memory_space<vmem>>, vector<1x8192xf32>
    tpu.vector_store %arg2[%swap3A, %swap3A_2], %transpose3A {strides = array<i32>} : memref<1x8192xf32, #tpu.memory_space<vmem>>, vector<1x8192xf32>,
    return
  }
  func.func @transform_0(%arg0: i32) -> (i32, i32) {
    %c0_i32 = arith.constant 0 : i32
    %c0_i32_0 = arith.constant 0 : i32
    return %arg0, %c0_i32 : i32, i32
  }
  func.func @transform_1(%arg0: i32) -> (i32, i32) {
    %c0_i32 = arith.constant 0 : i32
    %c0_i32_0 = arith.constant 0 : i32
    return %c0_i32, %arg0 : i32, i32
  }
}

</mosaic_0001>

<sc_bundles>
// kernel: kernel.5.cloned.1.call-start
scs
__scs_entry_jumppad:
0x0: {  	(pc) =	sbr.rel $0x88, $3  }
0x1: {  	(tag) =	ssettag $0x0;
	lr =	simm.s32 $0x1  }
0x2: {  	[smem:$0x3F9C] =	sst lr;
	_ =	strace $0xD0000000  }
0x3: {  	_ = 	snop  }
0x4: {  	_ = 	snop  }
0x5: {  	_ = 	snop  }
0x6: {  	_ = 	snop  }
0x7: {  	_ = 	snop  }
__scs_overlays_trampoline_lowered:
0x8: {  	[smem:$0x3FAB] =	sst s0  }
0x9: {  	[smem:$0x3FAC] =	sst s1  }
0xa: {  	[smem:$0x3FAD] =	sst s2  }
0xb: {  	[smem:$0x3FAE] =	sst s3  }
0xc: {  	[smem:$0x3FAF] =	sst s4  }
0xd: {  	[smem:$0x3FB0] =	sst s5  }
0xe: {  	[smem:$0x3FB1] =	sst s6  }
0xf: {  	[smem:$0x3FB2] =	sst s7  }
0x10: {  	[smem:$0x3FB3] =	sst s8  }
0x11: {  	[smem:$0x3FB4] =	sst s9;
	s0 =	simm.s32 @!p0 $0x0  }
0x12: {  	s1 =	sld [smem:$0x3F9A];
	s0 =	simm.s32 @p0 $0x1  }
0x13: {  	[smem:$0x3FB5] =	sst s0;
	s0 =	simm.s32 @!p1 $0x0  }
0x14: {  	s2 =	sld [smem:$0x3F99];
	s0 =	simm.s32 @p1 $0x1  }
0x15: {  	[smem:$0x3FB6] =	sst s0;
	s0 =	simm.s32 @!p2 $0x0  }
0x16: {  	s3 =	sld [smem:$0x3FDB];
	s0 =	simm.s32 @p2 $0x1  }
0x17: {  	s4 =	simm.s32 $0x1BF5;
	[smem:$0x3FB8] =	sst s0  }
0x18: {  	s0 =	sld [smem:$0x3F9B];
	_ =	swait.ge [sflag:s4], $0x0  }
0x19: {  	s7 =	sld [smem:$0x3F9C]  }
0x1a: {  	s8 =	sadd.s32 $0xFFFFE003, lr  }
0x1b: {  	s9 =	sadd.s32 $0xFFFFFEF7, lr;
	s5 =	simm.s32 $0xFFFFFFFF;
	p2 =	slt.u32 s8, $0xFFFFF086  }
0x1c: {  	p1 =	slt.u32 s9, $0xF7A;
	s5 =	simm.s32 @!p2 $0x0  }
0x1d: {  	s5 =	simm.s32 @p1 $0x1;
	p0 =	seq.s32 s7, s2  }
0x1e: {  	s7 =	smul.u32 @!p0 $0xF7A, s2;
	p2 =	seq.s32 @!p0 s5, $0x0  }
0x1f: {  	s9 =	smul.u32 $0xF7A, s1;
	s8 =	simm.s32 @!p0 $0x1BF5;
	p2 =	por !p2, p0  }
0x20: {  	[sflag:s8] =	ssyncset.s32 @!p0 $0xFFFFF086;
	s6 =	sadd.s32 @!p0 s3, s7;
	s7 =	simm.s32 @!p0 $0x108  }
0x21: {  	s3 =	sadd.s32 s3, s9;
	s6 =	sadd.s32 @!p0 $0x88, s6;
	s7 =	simm.s32 @p2 $0x1082  }
0x22: {  	[simem:s7], [sflag:s8] =	dma.local @!p0 [hbm:s6], $0xF7A  }
0x23: {  	s9 =	sor.u32 $0xD0000000, s2;
	s6 =	simm.s32 $0x108;
	_ =	swait.ge @!p0 [sflag:s8], $0x0  }
0x24: {  	s3 =	sadd.s32 $0x88, s3;
	s6 =	simm.s32 @!p1 $0x1082;
	[sflag:s4] =	ssyncset.s32 $0xFFFFF086  }
0x25: {  	[simem:s6], [sflag:s4] =	dma.local [hbm:s3], $0xF7A  }
0x26: {  	[smem:$0x3F9C] =	sst s1;
	(tag) =	ssettag s2;
	_ =	strace s9  }
0x27: {  	s1 =	sld [smem:$0x3FAC]  }
0x28: {  	s2 =	sld [smem:$0x3FAD]  }
0x29: {  	s4 =	sld [smem:$0x3FAF]  }
0x2a: {  	p0 =	seq.s32 s5, $0x0;
	s5 =	sld [smem:$0x3FB0]  }
0x2b: {  	s6 =	sld [smem:$0x3FB1]  }
0x2c: {  	s7 =	sld [smem:$0x3FB2]  }
0x2d: {  	s3 =	simm.s32 $0x108;
	s8 =	sld [smem:$0x3FB3]  }
0x2e: {  	s3 =	simm.s32 @!p0 $0x1082;
	s9 =	sld [smem:$0x3FB4]  }
0x2f: {  	lr =	sadd.s32 s0, s3;
	s0 =	sld [smem:$0x3FAB]  }
0x30: {  	s3 =	sld [smem:$0x3FAE]  }
0x31: {  	[smem:$0x3FB7] =	sst s10  }
0x32: {  	s10 =	sld [smem:$0x3FB5];
	_ =	sdelay $0x3  }
0x33: {  	p0 =	seq.s32 s10, $0x1;
	s10 =	sld [smem:$0x3FB7];
	_ =	sdelay $0x3  }
0x34: {  	[smem:$0x3FB7] =	sst s10  }
0x35: {  	s10 =	sld [smem:$0x3FB6];
	_ =	sdelay $0x3  }
0x36: {  	p1 =	seq.s32 s10, $0x1;
	s10 =	sld [smem:$0x3FB7];
	_ =	sdelay $0x3  }
0x37: {  	[smem:$0x3FB7] =	sst s10  }
0x38: {  	s10 =	sld [smem:$0x3FB8]  }
0x39: {  	_ = 	snop;
	(pc) =	sbr.ind lr, $3  }
0x3a: {  	_ = 	snop  }
0x3b: {  	_ = 	snop  }
0x3c: {  	p2 =	seq.s32 s10, $0x1;
	s10 =	sld [smem:$0x3FB7]  }
0x3d: {  	_ =	shalt  }
0x3e: {  	_ =	shalt  }
0x3f: {  	_ =	shalt  }
0x40: {  	_ =	shalt  }
0x41: {  	_ =	shalt  }
0x42: {  	_ =	shalt  }
0x43: {  	_ =	shalt  }
0x44: {  	_ =	shalt  }
0x45: {  	_ =	shalt  }
0x46: {  	_ =	shalt  }
0x47: {  	_ =	shalt  }
0x48: {  	_ =	shalt  }
0x49: {  	_ =	shalt  }
0x4a: {  	_ =	shalt  }
0x4b: {  	_ =	shalt  }
0x4c: {  	_ =	shalt  }
0x4d: {  	_ =	shalt  }
0x4e: {  	_ =	shalt  }
0x4f: {  	_ =	shalt  }
0x50: {  	_ =	shalt  }
0x51: {  	_ =	shalt  }
0x52: {  	_ =	shalt  }
0x53: {  	_ =	shalt  }
0x54: {  	_ =	shalt  }
0x55: {  	_ =	shalt  }
0x56: {  	_ =	shalt  }
0x57: {  	_ =	shalt  }
0x58: {  	_ =	shalt  }
0x59: {  	_ =	shalt  }
0x5a: {  	_ =	shalt  }
0x5b: {  	_ =	shalt  }
0x5c: {  	_ =	shalt  }
0x5d: {  	_ =	shalt  }
0x5e: {  	_ =	shalt  }
0x5f: {  	_ =	shalt  }
0x60: {  	_ =	shalt  }
0x61: {  	_ =	shalt  }
0x62: {  	_ =	shalt  }
0x63: {  	_ =	shalt  }
0x64: {  	_ =	shalt  }
0x65: {  	_ =	shalt  }
0x66: {  	_ =	shalt  }
0x67: {  	_ =	shalt  }
0x68: {  	_ =	shalt  }
0x69: {  	_ =	shalt  }
0x6a: {  	_ =	shalt  }
0x6b: {  	_ =	shalt  }
0x6c: {  	_ =	shalt  }
0x6d: {  	_ =	shalt  }
0x6e: {  	_ =	shalt  }
0x6f: {  	_ =	shalt  }
0x70: {  	_ =	shalt  }
0x71: {  	_ =	shalt  }
0x72: {  	_ =	shalt  }
0x73: {  	_ =	shalt  }
0x74: {  	_ =	shalt  }
0x75: {  	_ =	shalt  }
0x76: {  	_ =	shalt  }
0x77: {  	_ =	shalt  }
0x78: {  	_ =	shalt  }
0x79: {  	_ =	shalt  }
0x7a: {  	_ =	shalt  }
0x7b: {  	_ =	shalt  }
0x7c: {  	_ =	shalt  }
0x7d: {  	_ =	shalt  }
0x7e: {  	_ =	shalt  }
0x7f: {  	_ =	shalt  }
0x80: {  	_ =	shalt  }
0x81: {  	_ =	shalt  }
0x82: {  	_ =	shalt  }
0x83: {  	_ =	shalt  }
0x84: {  	_ =	shalt  }
0x85: {  	_ =	shalt  }
0x86: {  	_ =	shalt  }
0x87: {  	_ =	shalt  }
.Lfunc_end0:
.L_simem_size_0:
called_computation.1_lowered:
.L_overlay_start_0:
0x88: {  	s2 =	sld [smem:$0x3FD9]  }
0x89: {  	s3 =	sld [smem:$0x3FFE];
	_ =	sdelay $0x1  }
0x8a: {  	s1 =	srdreg.scid  }
0x8b: {  	s0 =	sand.u32 $0x1, s1  }
0x8c: {  	s17 =	sshll.u32 s0, $0xA;
	s2 =	sadd.s32 s3, s2  }
0x8d: {  	s2 =	sadd.s32 s2, s17  }
0x8e: {  	[smem:$0x3FC3] =	sst s2  }
0x8f: {  	_ = 	snop  }
0x90: {  	s2 =	sld [smem:$0x3FC9];
	(tm) =	ssettm $0x1  }
0x91: {  	s18 =	sld [smem:$0x3FFB];
	_ =	sdelay $0x3  }
0x92: {  	_ =	strace s18  }
0x93: {  	s3 =	sld [smem:$0x3FFC];
	_ =	sdelay $0x3  }
0x94: {  	_ =	strace s3  }
0x95: {  	s3 =	sld [smem:$0x3FFD];
	_ =	sdelay $0x3  }
0x96: {  	_ =	strace s3  }
0x97: {  	_ =	strace $0x8FFFFFFF  }
0x98: {  	s19 =	sld [smem:$0x3FDB];
	_ =	sdelay $0x1  }
0x99: {  	s4 =	simm.s32 $_scs_section_size  }
0x9a: {  	s5 =	simm.s32 $_size__tile_overlayer_lowered;
	s6 =	simm.s32 $_tile_overlayer_lowered  }
0x9b: {  	s22 =	simm.s32 $0x1BFF;
	s21 =	sshll.u32 s6, $0x1;
	s3 =	sadd.s32 s4, s19  }
0x9c: {  	s7 =	simm.s32 $0x0;
	s20 =	sshll.u32 s5, $0x1;
	s5 =	sadd.s32 s21, s3  }
0x9d: {  	[timem:s7], [sflag:s22] =	dma.local [hbm:s5], s20  }
0x9e: {  	_ =	swait.ge [sflag:s22], s20  }
0x9f: {  	s4 =	ssub.s32 $0x0, s20;
	[sflag:s22] =	ssyncset.done $0x0  }
0xa0: {  	[sflag:s22] =	ssyncadd.s32 s4;
	_ =	sdelay $0x1  }
0xa1: {  	s23 =	simm.s32 $0x1B8B  }
0xa2: {  	_ =	swait.ge [sflag:s23], $0x1  }
0xa3: {  	[sflag:s23] =	ssyncset.done $0x0  }
0xa4: {  	s25 =	simm.s32 $0x1B8E;
	s24 =	sld [smem:$0x3FFE];
	[sflag:s23] =	ssyncadd.s32 $0xFFFFFFFF  }
0xa5: {  	s26 =	simm.s32 $execute0_lowered;
	[smem:$0x3FD2] =	sst s25  }
0xa6: {  	s5 =	sshll.u32 s26, $0x1;
	_ =	strace $0x80000046;
	[dreg:$0x1] =	wrdreg $0xFFFFFFFF  }
0xa7: {  	s28 =	simm.s32 $_size_execute0_lowered;
	s3 =	sadd.s32 s3, s5;
	[dreg:$0x0] =	wrdreg $0x0  }
0xa8: {  	s5 =	sshll.u32 s28, $0x1;
	[dreg:$0x2] =	wrdreg s3  }
0xa9: {  	[dreg:$0x3] =	wrdreg s5  }
0xaa: {  	[dreg:$0x4] =	wrdreg $0xC0  }
0xab: {  	_ =	task [dreg:s7], $0x5FFFF  }
0xac: {  	[dreg:$0x1] =	wrdreg $0xFFFFFFFF  }
0xad: {  	[dreg:$0x0] =	wrdreg $0x60  }
0xae: {  	[dreg:$0x2] =	wrdreg s2  }
0xaf: {  	[dreg:$0x3] =	wrdreg s24  }
0xb0: {  	[dreg:$0x4] =	wrdreg $0x9  }
0xb1: {  	_ =	task.clear_ibuf [dreg:s7], $0x5FFFF;
	_ =	strace $0x90000046  }
0xb2: {  	s29 =	simm.s32 $0x9;
	_ =	strace $0x80000048  }
0xb3: {  	_ =	swait.ge [sflag:s29], $0x1  }
0xb4: {  	[sflag:s29] =	ssyncadd.s32 $0xFFFFFFFF  }
0xb5: {  	_ =	strace $0x90000048  }
0xb6: {  	_ =	sfence  }
0xb7: {  	s30 =	sld [smem:$0x0];
	_ =	sdelay $0x2  }
0xb8: {  	s31 =	sshll.u32 s1, $0xD;
	s1 =	sshrl.u32 s1, $0x2  }
0xb9: {  	s3 =	sand.u32 $0x4000, s31;
	s1 =	sadd.s32 s1, s30  }
0xba: {  	s0 =	sor.u32 s3, s0;
	s1 =	sshll.u32 s1, $0x11  }
0xbb: {  	s0 =	sor.u32 s1, s0  }
0xbc: {  	s0 =	sadd.s32 $0x8F2B, s0  }
0xbd: {  	[sflag:s0] =	ssyncadd.remote.s32 $0x1  }
0xbe: {  	_ =	sfence.sel $0xFFFF  }
0xbf: {  	[dreg:$0x0] =	wrdreg $0xFFFFFFFF;
	(pc) =	sbr.abs _section_cstart, $3  }
0xc0: {  	[dreg:$0x1] =	wrdreg $0xFFFFFFFF  }
0xc1: {  	_ =	task.clear_ibuf [dreg:s7], $0x2FFFF;
	_ =	strace $0x9FFFFFFF  }
0xc2: {  	(tm) =	ssettm $0x7FFFFFFF  }
0xc3: {  	_ =	shalt  }
tec
execute0_lowered:
.L_overlay_start_1:
0x0: {  	(tag) =	ssettag $0x1  }
0x1: {  	s3 =	rddreg [dreg:$0x0]  }
0x2: {  	s7 =	rddreg [dreg:$0x1];
	s2 =	srdreg.scid  }
0x3: {  	s0 =	rddreg [dreg:$0x2];
	s1 =	stileid.u32;
	s8 =	sand.u32 $0x1, s2  }
0x4: {  	s2 =	simm.s32 $0x0;
	s4 =	sshll.u32 s1, $0x4;
	s5 =	sshll.u32 s8, $0x3  }
0x5: {  	[smem:$0x7FF] =	sst s2;
	s9 =	sor.u32 s5, s4  }
0x6: {  	_ =	strace $0x80000047;
	s4 =	sadd.s32 s3, s9;
	s3 =	simm.s32 $0x1  }
0x7: {  	[tilespmem:s2], [sflag:$0x1] =	stream.linear.gather [hbm4b:s4+s2], $0x40, $0x38;
	[tilespmem:$0x18800] =	vst v63  }
0x8: {  	_ =	swait.ge [sflag:s3], $0x40  }
0x9: {  	[sflag:s3] =	ssyncset.done $0x0  }
0xa: {  	s6 =	simm.s32 $0x80;
	s5 =	sadd.s32 $0xE00, s7;
	[sflag:s3] =	ssyncadd.s32 $0xFFFFFFC0  }
0xb: {  	[tilespmem:s6], [sflag:$0x1] =	stream.linear.gather [hbm4b:s5+s2], $0x18700, $0x38;
	[tilespmem:$0x18800] =	vst v63  }
0xc: {  	_ =	swait.ge [sflag:s3], $0x18700  }
0xd: {  	[sflag:s3] =	ssyncset.done $0x0  }
0xe: {  	[sflag:s3] =	ssyncadd.s32 $0xFFFE7900  }
0xf: {  	v0 =	vld [tilespmem:$0x0];
	_ =	sdelay $0x5  }
0x10: {  	v1 =	vld [tilespmem:$0x10];
	_ =	sdelay $0x1  }
0x11: {  	v0 =	vld.idx.msk [tilespmem:v0+s6+$0x0], $0xffff;
	_ =	sdelay $0x3  }
0x12: {  	v2 =	vld [tilespmem:$0x20]  }
0x13: {  	[tilespmem:$0x18780] =	vst v0  }
0x14: {  	v0 =	vld.idx.msk [tilespmem:v1+s6+$0x0], $0xffff;
	_ =	sdelay $0x3  }
0x15: {  	v63 =	vld [tilespmem:$0x30]  }
0x16: {  	[tilespmem:$0x18790] =	vst v0  }
0x17: {  	v0 =	vld.idx.msk [tilespmem:v2+s6+$0x0], $0xffff;
	_ =	sdelay $0x4  }
0x18: {  	s8 =	ssub.s32 $0x2, s8;
	[tilespmem:$0x187A0] =	vst v0  }
0x19: {  	s10 =	sshrl.u32 s8, $0x1;
	v0 =	vld.idx.msk [tilespmem:v63+s6+$0x0], $0xffff  }
0x1a: {  	s8 =	ssub.s32 s8, s10  }
0x1b: {  	s31 =	smax.u32 s8, $0x1  }
0x1c: {  	p0 =	sne.s32 s31, $0x1  }
.Ltmp0:
0x1d: {  	s7 =	sadd.s32 s9, s7;
	(pc) =	sbr.rel @!p0 .LBB2_2-.Ltmp0, $4  }
0x1e: {  	s7 =	sadd.s32 $0x4000, s7;
	s8 =	simm.s32 $0x18780;
	[tilespmem:$0x187B0] =	vst v0  }
0x1f: {  	[hbm4b:s7+s2] =	stream.linear.scatter [tilespmem:s8], [sflag:$0x1], $0x40, $0x38;
	[tilespmem:$0x18800] =	vst v63  }
0x20: {  	_ =	swait.ge [sflag:s3], $0x40  }
0x21: {  	s9 =	sadd.s32 $0xFFFFFFFF, s31;
	[sflag:s3] =	ssyncset.done $0x0  }
.LBB2_1:
0x22: {  	p0 =	sne.s32 s9, $0x1;
	s9 =	sadd.s32 $0xFFFFFFFF, s9;
	[sflag:s3] =	ssyncadd.s32 $0xFFFFFFC0  }
0x23: {  	[tilespmem:s2], [sflag:$0x1] =	stream.linear.gather [hbm4b:s4+s2], $0x40, $0x38;
	[tilespmem:$0x18800] =	vst v63  }
0x24: {  	_ =	swait.ge [sflag:s3], $0x40  }
0x25: {  	[sflag:s3] =	ssyncset.done $0x0  }
0x26: {  	[sflag:s3] =	ssyncadd.s32 $0xFFFFFFC0  }
0x27: {  	[tilespmem:s6], [sflag:$0x1] =	stream.linear.gather [hbm4b:s5+s2], $0x18700, $0x38;
	[tilespmem:$0x18800] =	vst v63  }
0x28: {  	_ =	swait.ge [sflag:s3], $0x18700  }
0x29: {  	[sflag:s3] =	ssyncset.done $0x0  }
0x2a: {  	[sflag:s3] =	ssyncadd.s32 $0xFFFE7900  }
0x2b: {  	v0 =	vld [tilespmem:$0x0];
	_ =	sdelay $0x6  }
0x2c: {  	v1 =	vld [tilespmem:$0x10]  }
0x2d: {  	v0 =	vld.idx.msk [tilespmem:v0+s6+$0x0], $0xffff;
	_ =	sdelay $0x5  }
0x2e: {  	[tilespmem:$0x18780] =	vst v0;
	v0 =	vld [tilespmem:$0x20]  }
0x2f: {  	v1 =	vld.idx.msk [tilespmem:v1+s6+$0x0], $0xffff;
	_ =	sdelay $0x5  }
0x30: {  	[tilespmem:$0x18790] =	vst v1;
	v1 =	vld [tilespmem:$0x30]  }
0x31: {  	v0 =	vld.idx.msk [tilespmem:v0+s6+$0x0], $0xffff;
	_ =	sdelay $0x5  }
0x32: {  	[tilespmem:$0x187A0] =	vst v0  }
0x33: {  	v0 =	vld.idx.msk [tilespmem:v1+s6+$0x0], $0xffff;
	_ =	sdelay $0x4  }
.Ltmp1:
0x34: {  	(pc) =	sbr.rel @p0 .LBB2_1-.Ltmp1, $4  }
0x35: {  	[tilespmem:$0x187B0] =	vst v0  }
0x36: {  	[hbm4b:s7+s2] =	stream.linear.scatter [tilespmem:s8], [sflag:$0x1], $0x40, $0x38;
	[tilespmem:$0x18800] =	vst v63  }
0x37: {  	_ =	swait.ge [sflag:s3], $0x40  }
0x38: {  	[sflag:s3] =	ssyncset.done $0x0  }
.LBB2_2:
0x39: {  	[sflag:s3] =	ssyncadd.s32 $0xFFFFFFC0  }
0x3a: {  	_ =	sfence.sel $0x180000  }
0x3b: {  	[bflag:$0x0] =	sbarrier.arrive $0xFFFF  }
0x3c: {  	p0 =	sne.s32 s1, $0x0;
	_ =	strace $0x90000047  }
0x3d: {  	s0 =	sadd.s32 @!p0 $0x100000, s0;
	[bflag:$0x2] =	sbarrier.arrive $0xFFFF  }
0x3e: {  	[sflag:s0] =	ssyncadd.tile.s32 @!p0 $0x1;
	_ =	shalt  }
.Lfunc_end2:
_tile_overlayer_lowered:
.L_overlay_start_2:
0x3f: {  	(tag) =	ssettag $0x2  }
0x40: {  	s0 =	rddreg [dreg:$0x0];
	s2 =	stileid.u32  }
0x41: {  	s1 =	rddreg [dreg:$0x1];
	p0 =	sne.s32 s2, $0x0  }
0x42: {  	s3 =	rddreg [dreg:$0x2];
	[bflag:$0x3] =	sbarrier.arrive $0xFFFF;
	s2 =	simm.s32 @!p0 $0x1C01  }
0x43: {  	[timem:s3], [sflag:s2] =	dma.local @!p0 [hbm:s0], s1  }
0x44: {  	s0 =	simm.s32 @!p0 $0x1  }
0x45: {  	_ =	swait.ge @!p0 [sflag:s0], s1  }
0x46: {  	s1 =	ssub.s32 @!p0 $0x0, s1;
	[sflag:s0] =	ssyncset.done @!p0 $0x0  }
0x47: {  	[sflag:s0] =	ssyncadd.s32 @!p0 s1  }
0x48: {  	[bflag:$0x3] =	sbarrier.arrive $0xFFFF  }
0x49: {  	_ =	shalt  }

// kernel: sparse-core-data-format-call.cloned.1.call-start
scs
called_computation_lowered:
.L_overlay_start_0:
0x0: {  	s2 =	sld [smem:$0x3FD9]  }
0x1: {  	s3 =	sld [smem:$0x3FFE];
	_ =	sdelay $0x1  }
0x2: {  	s1 =	srdreg.scid  }
0x3: {  	s0 =	sand.u32 $0x1, s1  }
0x4: {  	s18 =	sshll.u32 s0, $0xA;
	s2 =	sadd.s32 s3, s2  }
0x5: {  	s2 =	sadd.s32 s2, s18  }
0x6: {  	[smem:$0x3FC3] =	sst s2  }
0x7: {  	_ = 	snop  }
0x8: {  	s2 =	sld [smem:$0x3FD0];
	(tm) =	ssettm $0x1  }
0x9: {  	s19 =	sld [smem:$0x3FFB];
	_ =	sdelay $0x3  }
0xa: {  	_ =	strace s19  }
0xb: {  	s3 =	sld [smem:$0x3FFC];
	_ =	sdelay $0x3  }
0xc: {  	_ =	strace s3  }
0xd: {  	s3 =	sld [smem:$0x3FFD];
	_ =	sdelay $0x3  }
0xe: {  	_ =	strace s3  }
0xf: {  	_ =	strace $0x8FFFFFFF  }
0x10: {  	s20 =	sld [smem:$0x3FDB];
	_ =	sdelay $0x1  }
0x11: {  	s4 =	simm.s32 $_scs_section_size  }
0x12: {  	s5 =	simm.s32 $_size__tile_overlayer_lowered;
	s6 =	simm.s32 $_tile_overlayer_lowered  }
0x13: {  	s23 =	simm.s32 $0x1BFF;
	s22 =	sshll.u32 s6, $0x1;
	s3 =	sadd.s32 s4, s20  }
0x14: {  	s7 =	simm.s32 $0x0;
	s21 =	sshll.u32 s5, $0x1;
	s5 =	sadd.s32 s22, s3  }
0x15: {  	[timem:s7], [sflag:s23] =	dma.local [hbm:s5], s21  }
0x16: {  	_ =	swait.ge [sflag:s23], s21  }
0x17: {  	s4 =	ssub.s32 $0x0, s21;
	[sflag:s23] =	ssyncset.done $0x0  }
0x18: {  	[sflag:s23] =	ssyncadd.s32 s4;
	_ =	sdelay $0x1  }
0x19: {  	s24 =	simm.s32 $0x1B8B  }
0x1a: {  	_ =	swait.ge [sflag:s24], $0x1  }
0x1b: {  	[sflag:s24] =	ssyncset.done $0x0  }
0x1c: {  	s26 =	simm.s32 $0x1B8E;
	s25 =	sld [smem:$0x3FFE];
	[sflag:s24] =	ssyncadd.s32 $0xFFFFFFFF  }
0x1d: {  	s27 =	simm.s32 $execute0_lowered;
	[smem:$0x3FD2] =	sst s26  }
0x1e: {  	s5 =	sshll.u32 s27, $0x1;
	_ =	strace $0x80000049;
	[dreg:$0x1] =	wrdreg $0xFFFFFFFF  }
0x1f: {  	s28 =	simm.s32 $_size_execute0_lowered;
	s3 =	sadd.s32 s3, s5;
	[dreg:$0x0] =	wrdreg $0x0  }
0x20: {  	s5 =	sshll.u32 s28, $0x1;
	[dreg:$0x2] =	wrdreg s3  }
0x21: {  	[dreg:$0x3] =	wrdreg s5  }
0x22: {  	[dreg:$0x4] =	wrdreg $0xC0  }
0x23: {  	_ =	task [dreg:s7], $0x5FFFF  }
0x24: {  	[dreg:$0x1] =	wrdreg $0xFFFFFFFF  }
0x25: {  	[dreg:$0x0] =	wrdreg $0x60  }
0x26: {  	[dreg:$0x2] =	wrdreg s25  }
0x27: {  	[dreg:$0x3] =	wrdreg s2  }
0x28: {  	[dreg:$0x4] =	wrdreg $0x9  }
0x29: {  	_ =	task.clear_ibuf [dreg:s7], $0x5FFFF;
	_ =	strace $0x90000049  }
0x2a: {  	s29 =	simm.s32 $0x9;
	_ =	strace $0x8000004B  }
0x2b: {  	_ =	swait.ge [sflag:s29], $0x1  }
0x2c: {  	[sflag:s29] =	ssyncadd.s32 $0xFFFFFFFF  }
0x2d: {  	_ =	strace $0x9000004B  }
0x2e: {  	_ =	sfence  }
0x2f: {  	s30 =	sld [smem:$0x0];
	_ =	sdelay $0x2  }
0x30: {  	s31 =	sshll.u32 s1, $0xD;
	s1 =	sshrl.u32 s1, $0x2  }
0x31: {  	s3 =	sand.u32 $0x4000, s31;
	s1 =	sadd.s32 s1, s30  }
0x32: {  	s0 =	sor.u32 s3, s0;
	s1 =	sshll.u32 s1, $0x11  }
0x33: {  	s0 =	sor.u32 s1, s0  }
0x34: {  	s0 =	sadd.s32 $0x8F2B, s0  }
0x35: {  	[sflag:s0] =	ssyncadd.remote.s32 $0x1  }
0x36: {  	_ =	sfence.sel $0xFFFF  }
0x37: {  	[dreg:$0x0] =	wrdreg $0xFFFFFFFF;
	(pc) =	sbr.abs _section_cstart, $3  }
0x38: {  	[dreg:$0x1] =	wrdreg $0xFFFFFFFF  }
0x39: {  	_ =	task.clear_ibuf [dreg:s7], $0x2FFFF;
	_ =	strace $0x9FFFFFFF  }
0x3a: {  	(tm) =	ssettm $0x7FFFFFFF  }
0x3b: {  	_ =	shalt  }
tec
execute0_lowered:
.L_overlay_start_1:
0x0: {  	(tag) =	ssettag $0x1  }
0x1: {  	s4 =	rddreg [dreg:$0x0]  }
0x2: {  	s0 =	stileid.u32;
	s3 =	rddreg [dreg:$0x1]  }
0x3: {  	s1 =	rddreg [dreg:$0x2];
	_ =	strace $0x8000004A;
	s7 =	srdreg.scid  }
0x4: {  	s8 =	simm.s32 $0x2;
	s16 =	simm.s32 $0x0;
	s2 =	sshll.u32 s0, $0x7  }
0x5: {  	s9 =	simm.s32 $0x4000;
	s15 =	simm.s32 $0x0;
	s5 =	ssub.s32 $0x800, s2  }
0x6: {  	s10 =	simm.s32 $0x0;
	s11 =	simm.s32 $0x0;
	s6 =	sand.u32 $0x780, s5  }
0x7: {  	s14 =	simm.s32 $0x0;
	p0 =	sne.s32 s6, $0x0;
	s6 =	simm.s32 $0x1  }
.Ltmp0:
0x8: {  	s5 =	sshrl.u32 s5, $0xB;
	s6 =	simm.s32 @!p0 $0x0;
	(pc) =	sbr.rel .LBB1_1-.Ltmp0, $4  }
0x9: {  	s4 =	sadd.s32 $0xE00, s4;
	s7 =	sshll.u32 s7, $0x7;
	s6 =	sadd.s32 s6, s5  }
0xa: {  	s7 =	sand.u32 $0x80, s7;
	s5 =	simm.s32 $0x1;
	s6 =	smul.u32 $0x187, s6  }
0xb: {  	s13 =	smov.u32 s2;
	s12 =	smov.u32 s7;
	[sflag:s5] =	ssyncpa.u1 $0x0  }
0xc: {  	p0 =	por $0x0, $0x0;
	[sflag:s8] =	ssyncpa.u1 $0x0;
	s8 =	sadd.s32 $0x1, s6  }
.LBB1_4:
0xd: {  	s21 =	sshra.s32 s21, $0x2;
	s26 =	sshll.u32 s10, $0xB  }
0xe: {  	s22 =	sand.u32 $0x78, s11;
	s23 =	sshll.u32 s11, $0x3;
	s25 =	sshll.u32 s10, $0x7  }
0xf: {  	p1 =	sgt.s32 s10, $0x18620;
	s29 =	sshra.s32 s10, $0x1F;
	s20 =	sadd.s32 s21, s20  }
0x10: {  	s21 =	sand.u32 $0xFFFFC000, s26;
	s24 =	sand.u32 $0xFFFFFC00, s23;
	s23 =	sand.u32 $0x400, s23  }
0x11: {  	v5 =	vld [tilespmem:s18+$0xFFFFFFD0];
	[tilespmem:s19+$0x2040 ss:$0x81] =	vst.msk $0xffff, v4;
	s27 =	sand.u32 $0x380, s25;
	s30 =	sand.u32 s29, s10;
	s25 =	smov.u32 s11  }
0x12: {  	v58 =	vld [tilespmem:s18+$0xFFFFFFE0];
	[tilespmem:s19+$0x2850 ss:$0x81] =	vst.msk $0xffff, v3;
	s26 =	sshra.s32 s11, $0x1F;
	s21 =	sadd.s32 s24, s21;
	s22 =	sor.u32 s22, s23  }
0x13: {  	v59 =	vld [tilespmem:s18+$0xFFFFFFF0];
	[tilespmem:s19+$0x3060 ss:$0x81] =	vst.msk $0xffff, v2;
	s23 =	smov.u32 s10;
	s31 =	sand.u32 s26, s11;
	s22 =	sor.u32 s27, s22  }
0x14: {  	v60 =	vld [tilespmem:s18+$0x0];
	[tilespmem:s19+$0x0 ss:$0x81] =	vst.msk $0xffff, v1;
	s21 =	sshrl.u32 s21, $0xB;
	s23 =	simm.s32 @!p1 $0x18620;
	p1 =	sgt.s32 s11, $0x780  }
0x15: {  	v61 =	vld [tilespmem:s18+$0x10];
	[tilespmem:s20+$0x3870 ss:$0x81] =	vst.msk $0xffff, v0;
	s28 =	smulhi.u32 $0xA7C5B, s21;
	s19 =	ssub.s32 s23, s30;
	s25 =	simm.s32 @!p1 $0x780  }
0x16: {  	v62 =	vld [tilespmem:s18+$0x20];
	[tilespmem:s20+$0x810 ss:$0x81] =	vst.msk $0xffff, v5;
	s23 =	ssub.s32 s25, s31;
	s26 =	sadd.s32 $0xFFFE79E0, s19;
	s19 =	ssub.s32 $0x186A0, s19  }
0x17: {  	v63 =	vld [tilespmem:s18+$0xFFFFFFC0];
	[tilespmem:s20+$0x1020 ss:$0x81] =	vst.msk $0xffff, v58;
	s24 =	sshrl.u32 s28, $0x4;
	p1 =	sgt.s32 s26, $0x7F;
	s28 =	sadd.s32 $0xFFFFF880, s23  }
0x18: {  	[tilespmem:s20+$0x1830 ss:$0x81] =	vst.msk $0xffff, v59;
	s23 =	ssub.s32 $0x800, s23;
	s27 =	smul.u32 $0x186A0, s24;
	p2 =	sgt.s32 s28, $0x7F  }
0x19: {  	s29 =	sshrl.u32 s22, $0x3;
	[tilespmem:s20+$0x2040 ss:$0x81] =	vst.msk $0xffff, v60;
	s19 =	simm.s32 @p1 $0x0;
	s23 =	simm.s32 @p2 $0x0  }
0x1a: {  	s30 =	sand.u32 $0x7, s11;
	[tilespmem:s20+$0x2850 ss:$0x81] =	vst.msk $0xffff, v61;
	s18 =	ssub.s32 s21, s27;
	s19 =	smul.u32 s23, s19  }
0x1b: {  	[tilespmem:s20+$0x3060 ss:$0x81] =	vst.msk $0xffff, v62;
	s22 =	sshll.u32 s30, $0x12;
	s21 =	sadd.s32 s3, s29;
	s18 =	sshll.u32 s18, $0x8  }
0x1c: {  	[tilespmem:s20+$0x0 ss:$0x81] =	vst.msk $0xffff, v63;
	s31 =	sor.u32 $0x400, s22;
	s19 =	sand.u32 $0x3FFFFFFF, s19;
	s18 =	sadd.s32 s18, s21  }
0x1d: {  	[hbm4b:s18+s31] =	stream.strided.scatter [tilespmem:s17], [sflag:$0x2], s19, s9, s31, $0x20;
	[tilespmem:$0x10100] =	vst v63  }
.LBB1_5:
0x1e: {  	p1 =	slt.u32 s14, $0x2  }
0x1f: {  	s18 =	smov.u32 s16;
	p2 =	sgt.s32 @!p1 s16, $0x18620;
	s17 =	sshra.s32 @!p1 s16, $0x1F  }
0x20: {  	p3 =	sgt.s32 @!p1 s15, $0x780;
	s19 =	sshra.s32 @!p1 s15, $0x1F;
	p2 =	por !p2, p1  }
0x21: {  	s16 =	sand.u32 @!p1 s17, s16;
	p3 =	por !p3, p1;
	s17 =	smov.u32 s15  }
0x22: {  	s15 =	sand.u32 @!p1 s19, s15;
	s18 =	simm.s32 @p2 $0x18620;
	s17 =	simm.s32 @p3 $0x780  }
0x23: {  	s16 =	ssub.s32 @!p1 s18, s16;
	s15 =	ssub.s32 @!p1 s17, s15  }
0x24: {  	s19 =	smov.u32 s13;
	s17 =	sadd.s32 @!p1 $0xFFFE79E0, s16;
	s18 =	sadd.s32 @!p1 $0xFFFFF880, s15  }
0x25: {  	s16 =	ssub.s32 @!p1 $0x186A0, s16;
	p2 =	sgt.s32 @!p1 s17, $0x7F;
	p3 =	sgt.s32 @!p1 s18, $0x7F  }
0x26: {  	s15 =	ssub.s32 @!p1 $0x800, s15;
	p2 =	por !p2, p1;
	p3 =	por !p3, p1  }
0x27: {  	s17 =	sadd.s32 $0x100, s12;
	s16 =	simm.s32 @!p2 $0x0;
	s15 =	simm.s32 @!p3 $0x0  }
0x28: {  	p2 =	sgt.s32 s17, $0x1869F;
	s15 =	smul.u32 @!p1 s15, s16;
	s16 =	sadd.s32 $0x800, s13  }
0x29: {  	s19 =	smov.u32 @p2 s16  }
0x2a: {  	s17 =	smov.u32 @p2 s7;
	p2 =	sgt.s32 s19, $0x7FF  }
0x2b: {  	s19 =	smov.u32 @p2 s2;
	p2 =	sne.s32 s14, s8  }
.Ltmp1:
0x2c: {  	p0 =	por !p0, !p0;
	s18 =	simm.s32 @!p1 $0x2;
	(pc) =	sbr.rel @!p2 .LBB1_6-.Ltmp1, $4  }
0x2d: {  	s16 =	smov.u32 s10;
	s10 =	smov.u32 s12;
	s15 =	sand.u32 @!p1 $0x3FFFFFFF, s15  }
0x2e: {  	s12 =	smov.u32 s17;
	_ =	swait.ge @!p1 [sflag:s18], s15;
	s20 =	ssub.s32 @!p1 $0x0, s15  }
0x2f: {  	s15 =	smov.u32 s11;
	s14 =	sadd.s32 $0x1, s14;
	[sflag:s18] =	ssyncset.done @!p1 $0x0  }
0x30: {  	s11 =	smov.u32 s13;
	s13 =	smov.u32 s19;
	[sflag:s18] =	ssyncadd.s32 @!p1 s20  }
.LBB1_1:
0x31: {  	p1 =	sge.u32 s14, s6  }
0x32: {  	s17 =	sshrl.u32 @!p1 s13, $0x3  }
0x33: {  	s18 =	sshll.u32 @!p1 s12, $0x3;
	s17 =	smul.u32 @!p1 $0xC3800, s17  }
0x34: {  	s19 =	sshll.u32 @!p1 s13, $0x7;
	s18 =	sand.u32 @!p1 $0xFFFFFC00, s18  }
0x35: {  	s17 =	sadd.s32 @!p1 s17, s18;
	s18 =	sand.u32 @!p1 $0x380, s19  }
0x36: {  	s19 =	sand.u32 @!p1 $0x7F, s12;
	s17 =	sor.u32 @!p1 s18, s17  }
0x37: {  	s18 =	sor.u32 @!p1 s19, s17  }
0x38: {  	s19 =	smulhi.u32 @!p1 $0xA79C7B17, s18;
	_ =	sdelay $0x1  }
0x39: {  	s17 =	smulhi.u32 @!p1 $0xA79C7B17, s17;
	s19 =	sshrl.u32 @!p1 s19, $0x10  }
0x3a: {  	s19 =	smul.u32 @!p1 $0x18700, s19  }
0x3b: {  	s31 =	sadd.s32 $0xFFFFFFFF, s14;
	s20 =	sxor.u32 @!p1 $0xFFFFFFFF, s14;
	s17 =	sshrl.u32 @!p1 s17, $0x10  }
0x3c: {  	s20 =	sshll.u32 @!p1 s20, $0xE;
	s17 =	sand.u32 @!p1 $0x7FF, s17;
	s18 =	ssub.s32 @!p1 s18, s19  }
0x3d: {  	s17 =	smul.u32 @!p1 $0x30E0, s17;
	s19 =	sshrl.u32 @!p1 s18, $0x3;
	s18 =	sand.u32 @!p1 $0x7, s18  }
0x3e: {  	s20 =	sand.u32 @!p1 $0x4000, s20;
	s19 =	sadd.s32 @!p1 s4, s19;
	s18 =	sshll.u32 @!p1 s18, $0x12  }
0x3f: {  	s17 =	sadd.s32 @!p1 s17, s19;
	s18 =	sor.u32 @!p1 $0x400, s18;
	s19 =	simm.s32 @!p1 $0xC3800  }
0x40: {  	[tilespmem:s20], [sflag:$0x1] =	stream.strided.gather @!p1 [hbm4b:s17+s18], $0x4000, s19, s18, $0x38;
	[tilespmem:$0x10100] =	vst v63  }
0x41: {  	p1 =	sge.u32 s31, s6  }
.Ltmp2:
0x42: {  	_ = 	snop;
	(pc) =	sbr.rel @p1 .LBB1_5-.Ltmp2, $1  }
0x43: {  	_ =	sdelay $0x3  }
0x44: {  	s17 =	simm.s32 $0x1  }
0x45: {  	_ =	swait.ge [sflag:s5], $0x4000;
	s17 =	simm.s32 @!p0 $0x0  }
0x46: {  	[sflag:s5] =	ssyncset.done $0x0;
	s18 =	sshll.u32 s17, $0xE  }
0x47: {  	[sflag:s5] =	ssyncadd.s32 $0xFFFFC000;
	s18 =	sor.u32 $0x40, s18  }
0x48: {  	s17 =	smul.u32 $0x10200, s17;
	v0 =	vld [tilespmem:s18+$0x30]  }
0x49: {  	v1 =	vld [tilespmem:s18+$0xFFFFFFD0]  }
0x4a: {  	s17 =	sshrl.u32 s17, $0x2;
	v5 =	vld [tilespmem:s18+$0xFFFFFFE0]  }
0x4b: {  	v6 =	vld [tilespmem:s18+$0xFFFFFFF0];
	s20 =	sor.u32 $0x8000, s17  }
0x4c: {  	s31 =	sand.u32 $0x1, s14;
	v4 =	vld [tilespmem:s18+$0x0];
	s19 =	sadd.s32 $0x0, s20  }
0x4d: {  	v3 =	vld [tilespmem:s18+$0x10];
	s17 =	smul.u32 $0x10200, s31;
	[tilespmem:s19+$0x3870 ss:$0x81] =	vst.msk $0xffff, v0  }
0x4e: {  	v2 =	vld [tilespmem:s18+$0x20];
	[tilespmem:s19+$0x810 ss:$0x81] =	vst.msk $0xffff, v1  }
0x4f: {  	s17 =	sshrl.u32 s17, $0x2;
	v1 =	vld [tilespmem:s18+$0xFFFFFFC0];
	[tilespmem:s19+$0x1020 ss:$0x81] =	vst.msk $0xffff, v5;
	s18 =	sadd.s32 $0x80, s18  }
0x50: {  	s21 =	simm.s32 $0x4;
	s22 =	simm.s32 $0x8;
	s17 =	sor.u32 $0x8000, s17;
	[tilespmem:s19+$0x1830 ss:$0x81] =	vst.msk $0xffff, v6;
	v0 =	vld [tilespmem:s18+$0x30]  }
.LBB1_3:
0x51: {  	p1 =	sne.s32 s22, $0x1FC;
	v5 =	vld [tilespmem:s18+$0xFFFFFFD0];
	[tilespmem:s19+$0x2040 ss:$0x81] =	vst.msk $0xffff, v4  }
0x52: {  	v6 =	vld [tilespmem:s18+$0xFFFFFFE0];
	[tilespmem:s19+$0x2850 ss:$0x81] =	vst.msk $0xffff, v3  }
0x53: {  	s23 =	sshra.s32 s21, $0x2;
	s21 =	smov.u32 s22;
	v7 =	vld [tilespmem:s18+$0xFFFFFFF0];
	[tilespmem:s19+$0x3060 ss:$0x81] =	vst.msk $0xffff, v2  }
.Ltmp3:
0x54: {  	v4 =	vld [tilespmem:s18+$0x0];
	[tilespmem:s19+$0x0 ss:$0x81] =	vst.msk $0xffff, v1;
	s19 =	sadd.s32 s23, s20;
	(pc) =	sbr.rel @p1 .LBB1_3-.Ltmp3, $4  }
0x55: {  	v3 =	vld [tilespmem:s18+$0x10];
	[tilespmem:s19+$0x3870 ss:$0x81] =	vst.msk $0xffff, v0  }
0x56: {  	[tilespmem:s19+$0x810 ss:$0x81] =	vst.msk $0xffff, v5;
	v2 =	vld [tilespmem:s18+$0x20]  }
0x57: {  	v1 =	vld [tilespmem:s18+$0xFFFFFFC0];
	[tilespmem:s19+$0x1020 ss:$0x81] =	vst.msk $0xffff, v6;
	s18 =	sadd.s32 $0x80, s18  }
0x58: {  	s22 =	sadd.s32 $0x4, s22;
	v0 =	vld [tilespmem:s18+$0x30];
	[tilespmem:s19+$0x1830 ss:$0x81] =	vst.msk $0xffff, v7  }
.Ltmp4:
0x59: {  	_ = 	snop;
	(pc) =	sbr.rel .LBB1_4-.Ltmp4, $1  }
0x5a: {  	_ =	sdelay $0x3  }
.LBB1_6:
0x5b: {  	_ =	sfence.sel $0x180000  }
0x5c: {  	s2 =	simm.s32 $0x1;
	[bflag:$0x0] =	sbarrier.arrive $0xFFFF  }
0x5d: {  	s31 =	simm.s32 $0x2;
	[sflag:s2] =	ssyncpa.u1 $0x1  }
0x5e: {  	[sflag:s31] =	ssyncpa.u1 $0x1  }
0x5f: {  	p0 =	sne.s32 s0, $0x0;
	_ =	strace $0x9000004A  }
0x60: {  	s0 =	sadd.s32 @!p0 $0x100000, s1;
	[bflag:$0x2] =	sbarrier.arrive $0xFFFF  }
0x61: {  	[sflag:s0] =	ssyncadd.tile.s32 @!p0 $0x1;
	_ =	shalt  }
.Lfunc_end1:
_tile_overlayer_lowered:
.L_overlay_start_2:
0x62: {  	(tag) =	ssettag $0x2  }
0x63: {  	s0 =	rddreg [dreg:$0x0];
	s2 =	stileid.u32  }
0x64: {  	s1 =	rddreg [dreg:$0x1];
	p0 =	sne.s32 s2, $0x0  }
0x65: {  	s3 =	rddreg [dreg:$0x2];
	[bflag:$0x3] =	sbarrier.arrive $0xFFFF;
	s2 =	simm.s32 @!p0 $0x1C01  }
0x66: {  	[timem:s3], [sflag:s2] =	dma.local @!p0 [hbm:s0], s1  }
0x67: {  	s0 =	simm.s32 @!p0 $0x1  }
0x68: {  	_ =	swait.ge @!p0 [sflag:s0], s1  }
0x69: {  	s1 =	ssub.s32 @!p0 $0x0, s1;
	[sflag:s0] =	ssyncset.done @!p0 $0x0  }
0x6a: {  	[sflag:s0] =	ssyncadd.s32 @!p0 s1  }
0x6b: {  	[bflag:$0x3] =	sbarrier.arrive $0xFFFF  }
0x6c: {  	_ =	shalt  }

</sc_bundles>
